<compile_context>
chip_gen: v7x
topology: tpu7x:2x2x1
jax: 0.10.2.dev20260603
libtpu: 0.0.44.dev20260713+nightly
codegen_flags: <defaults>
</compile_context>

<pallas_src>
import jax
import jax.numpy as jnp
from jax import lax
from jax.experimental import pallas as pl
from jax.experimental.pallas import tpu as pltpu
from jax.experimental.pallas import tpu_sc as plsc

MAX_TOKENS = 32768
MAX_SEQS = 128
NEW = 4096
NC = 1
NS = 16
NW = NC * NS
CHUNK = MAX_TOKENS // NW
VECS = CHUNK // 16
NSTAGE = CHUNK + 16
FW = MAX_SEQS // 4
SCAL = 32 + 2 * FW

_mesh = plsc.VectorSubcoreMesh(core_axis_name="c", subcore_axis_name="s",
                               num_cores=NC)


def _body(tok_hbm, sid_hbm, lp_hbm, scal_hbm,
          ntok_hbm, nsid_hbm, nlp_hbm,
          out_tok, out_sid, out_lp, out_fin,
          scal_v, oldt, olds, oldl, newt, news, newl, finv,
          sem_scal, sem_in, sem_new, sem_out, sem_fin):
    wid = lax.axis_index("s") * NC + lax.axis_index("c")
    base = wid * CHUNK

    pltpu.async_copy(tok_hbm.at[pl.ds(base, CHUNK)], oldt, sem_in)
    pltpu.async_copy(sid_hbm.at[pl.ds(base, CHUNK)], olds, sem_in)
    pltpu.async_copy(lp_hbm.at[pl.ds(base, CHUNK)], oldl, sem_in)

    pltpu.async_copy(scal_hbm, scal_v, sem_scal).wait()
    t_vec = scal_v[pl.ds(0, 16)]
    n_vec = jnp.minimum(scal_v[pl.ds(16, 16)], NEW)
    end_vec = t_vec + n_vec
    t_s = t_vec[0]
    n_s = n_vec[0]

    jlo = jnp.clip((t_s - base) >> 4, 0, VECS)
    jhi = jnp.clip((t_s + n_s - base + 15) >> 4, 0, VECS)

    @pl.when(wid == NW - 1)
    def _fin():
        finv[pl.ds(0, 16)] = scal_v[pl.ds(32, 16)] | scal_v[pl.ds(64, 16)]
        finv[pl.ds(16, 16)] = scal_v[pl.ds(48, 16)] | scal_v[pl.ds(80, 16)]
        pltpu.async_copy(finv, out_fin, sem_fin).wait()

    full = ((t_s <= base) & (t_s + n_s >= base + CHUNK) & ((t_s & 7) == 0))
    partial = (jlo < jhi) & jnp.logical_not(full)

    start = pl.multiple_of(jnp.clip((base - t_s) & ~15, 0, NEW - NSTAGE), 16)

    @pl.when(full)
    def _stage_full():
        src = pl.multiple_of(base - t_s, 8)
        pltpu.async_copy(ntok_hbm.at[pl.ds(src, CHUNK)],
                         newt.at[pl.ds(0, CHUNK)], sem_new)
        pltpu.async_copy(nsid_hbm.at[pl.ds(src, CHUNK)],
                         news.at[pl.ds(0, CHUNK)], sem_new)
        pltpu.async_copy(nlp_hbm.at[pl.ds(src, CHUNK)],
                         newl.at[pl.ds(0, CHUNK)], sem_new)

    @pl.when(partial)
    def _stage_new():
        pltpu.async_copy(ntok_hbm.at[pl.ds(start, NSTAGE)], newt, sem_new)
        pltpu.async_copy(nsid_hbm.at[pl.ds(start, NSTAGE)], news, sem_new)
        pltpu.async_copy(nlp_hbm.at[pl.ds(start, NSTAGE)], newl, sem_new)

    pltpu.make_async_copy(tok_hbm.at[pl.ds(base, CHUNK)], oldt, sem_in).wait()
    pltpu.make_async_copy(sid_hbm.at[pl.ds(base, CHUNK)], olds, sem_in).wait()
    pltpu.make_async_copy(lp_hbm.at[pl.ds(base, CHUNK)], oldl, sem_in).wait()

    @pl.when(partial)
    def _patch():
        pltpu.make_async_copy(ntok_hbm.at[pl.ds(start, NSTAGE)], newt,
                              sem_new).wait()
        pltpu.make_async_copy(nsid_hbm.at[pl.ds(start, NSTAGE)], news,
                              sem_new).wait()
        pltpu.make_async_copy(nlp_hbm.at[pl.ds(start, NSTAGE)], newl,
                              sem_new).wait()

        iota = lax.iota(jnp.int32, 16)
        shift_vec = t_vec + start

        def jbody(j, carry):
            i0 = j * 16
            lane = i0 + iota
            idx = base + lane
            m = (idx >= t_vec) & (idx < end_vec)
            off = jnp.clip(idx - shift_vec, 0, NSTAGE - 1)
            vt = plsc.load_gather(newt, [off])
            vs = plsc.load_gather(news, [off])
            vl = plsc.load_gather(newl, [off])
            plsc.store_scatter(oldt, [lane], vt, mask=m)
            plsc.store_scatter(olds, [lane], vs, mask=m)
            plsc.store_scatter(oldl, [lane], vl, mask=m)
            return carry

        lax.fori_loop(jlo, jhi, jbody, 0)

    @pl.when(full)
    def _out_full():
        pltpu.make_async_copy(ntok_hbm.at[pl.ds(start, CHUNK)],
                              newt.at[pl.ds(0, CHUNK)], sem_new).wait()
        pltpu.make_async_copy(nsid_hbm.at[pl.ds(start, CHUNK)],
                              news.at[pl.ds(0, CHUNK)], sem_new).wait()
        pltpu.make_async_copy(nlp_hbm.at[pl.ds(start, CHUNK)],
                              newl.at[pl.ds(0, CHUNK)], sem_new).wait()
        pltpu.async_copy(newt.at[pl.ds(0, CHUNK)],
                         out_tok.at[pl.ds(base, CHUNK)], sem_out)
        pltpu.async_copy(news.at[pl.ds(0, CHUNK)],
                         out_sid.at[pl.ds(base, CHUNK)], sem_out)
        pltpu.async_copy(newl.at[pl.ds(0, CHUNK)],
                         out_lp.at[pl.ds(base, CHUNK)], sem_out)

    @pl.when(jnp.logical_not(full))
    def _out_old():
        pltpu.async_copy(oldt, out_tok.at[pl.ds(base, CHUNK)], sem_out)
        pltpu.async_copy(olds, out_sid.at[pl.ds(base, CHUNK)], sem_out)
        pltpu.async_copy(oldl, out_lp.at[pl.ds(base, CHUNK)], sem_out)

    pltpu.make_async_copy(oldt, out_tok.at[pl.ds(base, CHUNK)], sem_out).wait()
    pltpu.make_async_copy(olds, out_sid.at[pl.ds(base, CHUNK)], sem_out).wait()
    pltpu.make_async_copy(oldl, out_lp.at[pl.ds(base, CHUNK)], sem_out).wait()


_sc_update = pl.kernel(
    _body,
    out_type=(
        jax.ShapeDtypeStruct((MAX_TOKENS,), jnp.int32),
        jax.ShapeDtypeStruct((MAX_TOKENS,), jnp.int32),
        jax.ShapeDtypeStruct((MAX_TOKENS,), jnp.float32),
        jax.ShapeDtypeStruct((FW,), jnp.int32),
    ),
    mesh=_mesh,
    scratch_types=[
        pltpu.VMEM((SCAL,), jnp.int32),
        pltpu.VMEM((CHUNK,), jnp.int32),
        pltpu.VMEM((CHUNK,), jnp.int32),
        pltpu.VMEM((CHUNK,), jnp.float32),
        pltpu.VMEM((NSTAGE,), jnp.int32),
        pltpu.VMEM((NSTAGE,), jnp.int32),
        pltpu.VMEM((NSTAGE,), jnp.float32),
        pltpu.VMEM((2 * 16,), jnp.int32),
        pltpu.SemaphoreType.DMA,
        pltpu.SemaphoreType.DMA,
        pltpu.SemaphoreType.DMA,
        pltpu.SemaphoreType.DMA,
        pltpu.SemaphoreType.DMA,
    ],
    compiler_params=pltpu.CompilerParams(needs_layout_passes=False),
)


def kernel(tokens_buf, slot_ids_buf, logprobs_buf, num_tokens, finished,
           new_tokens, new_slot_ids, new_logprobs, num_new_tokens,
           finished_snapshot):
    t = jnp.asarray(num_tokens, jnp.int32)
    n = jnp.asarray(num_new_tokens, jnp.int32)
    fin_w = lax.bitcast_convert_type(
        finished.astype(jnp.uint8).reshape(FW, 4), jnp.int32)
    snap_w = lax.bitcast_convert_type(
        finished_snapshot.astype(jnp.uint8).reshape(FW, 4), jnp.int32)
    scal = jnp.concatenate(
        [jnp.broadcast_to(t, (16,)), jnp.broadcast_to(n, (16,)),
         fin_w, snap_w])
    out_tok, out_sid, out_lp, out_fin = _sc_update(
        tokens_buf, slot_ids_buf, logprobs_buf, scal,
        new_tokens, new_slot_ids, new_logprobs)
    fin_bool = lax.bitcast_convert_type(out_fin, jnp.uint8).reshape(MAX_SEQS)
    return (out_tok, out_sid, out_lp, t + n, fin_bool.astype(jnp.bool_))

# --- scband reference (transcript-rebuilt; emitter-appended) ---
"""Pipeline reference for scband-decode-outputs-22823456211446 (READ-ONLY COPY).

The authoritative reference and input builder live on the scoring server;
editing this copy changes nothing except your own understanding.
"""

import jax, jax.numpy as jnp
import numpy as np

INVALID = -1
MAX_TOKENS = 32768
MAX_SEQS = 128
NEW = 4096


def setup_inputs(seed: int = 0) -> dict:
    key = jax.random.key(seed)
    k1, k2, k3, k4 = jax.random.split(key, 4)
    return {
        # module state, as built by _DecodeOutputs.init(max_tokens=32768, max_seqs=128, with_logprobs=True)
        "tokens_buf": jnp.full((MAX_TOKENS,), INVALID, dtype=jnp.int32),
        "slot_ids_buf": jnp.full((MAX_TOKENS,), INVALID, dtype=jnp.int32),
        "logprobs_buf": jnp.full((MAX_TOKENS,), jnp.nan, dtype=jnp.float32),
        "num_tokens": jnp.array(1024, dtype=jnp.int32),
        "finished": jnp.zeros((MAX_SEQS,), dtype=bool),
        # append() args: one decode step emitting up to 4096 tokens (only num_new_tokens valid)
        "new_tokens": jax.random.randint(k1, (NEW,), 0, 32000, dtype=jnp.int32),
        "new_slot_ids": jax.random.randint(k2, (NEW,), 0, MAX_SEQS, dtype=jnp.int32),
        "new_logprobs": jax.random.normal(k3, (NEW,), dtype=jnp.float32),
        "num_new_tokens": 3072,
        "finished_snapshot": jax.random.randint(k4, (MAX_SEQS,), 0, 2) == 1,
    }


def masked_set(buf, offset, new_vals, num_new):
    """Write new_vals[:num_new] into buf starting at `offset` (scatter-overwrite)."""
    n = new_vals.shape[0]
    pos = offset + jnp.arange(n, dtype=jnp.int32)
    mask = jnp.arange(n) < num_new
    # invalid lanes are pushed out-of-bounds and dropped by the scatter
    pos = jnp.where(mask, pos, buf.shape[0])
    return buf.at[pos].set(new_vals, mode="drop")


def reference(tokens_buf, slot_ids_buf, logprobs_buf, num_tokens, finished,
              new_tokens, new_slot_ids, new_logprobs, num_new_tokens, finished_snapshot):
    new_tok_buf = masked_set(tokens_buf, num_tokens, new_tokens, num_new_tokens)
    new_sid_buf = masked_set(slot_ids_buf, num_tokens, new_slot_ids, num_new_tokens)
    new_lp_buf = masked_set(logprobs_buf, num_tokens, new_logprobs, num_new_tokens)
    new_finished = finished | finished_snapshot
    new_num_tokens = num_tokens + jnp.asarray(num_new_tokens, dtype=jnp.int32)
    return (new_tok_buf, new_sid_buf, new_lp_buf, new_num_tokens, new_finished)

if __name__ == "__main__":
    import jax
    _d = setup_inputs()
    print(jax.jit(kernel)(*tuple(_d.values())))

</pallas_src>

<mosaic_0001>
#map = affine_map<(d0, d1) -> (0)>
module attributes {stable_mosaic.version = 14 : i64} {
  func.func @_body(%arg0: i32, %arg1: i32, %arg2: memref<32768xi32, #tpu.memory_space<hbm>>, %arg3: memref<32768xi32, #tpu.memory_space<hbm>>, %arg4: memref<32768xf32, #tpu.memory_space<hbm>>, %arg5: memref<96xi32, #tpu.memory_space<hbm>>, %arg6: memref<4096xi32, #tpu.memory_space<hbm>>, %arg7: memref<4096xi32, #tpu.memory_space<hbm>>, %arg8: memref<4096xf32, #tpu.memory_space<hbm>>, %arg9: memref<32768xi32, #tpu.memory_space<hbm>>, %arg10: memref<32768xi32, #tpu.memory_space<hbm>>, %arg11: memref<32768xf32, #tpu.memory_space<hbm>>, %arg12: memref<32xi32, #tpu.memory_space<hbm>>, %arg13: memref<96xi32, #tpu.memory_space<vmem>>, %arg14: memref<2048xi32, #tpu.memory_space<vmem>>, %arg15: memref<2048xi32, #tpu.memory_space<vmem>>, %arg16: memref<2048xf32, #tpu.memory_space<vmem>>, %arg17: memref<2064xi32, #tpu.memory_space<vmem>>, %arg18: memref<2064xi32, #tpu.memory_space<vmem>>, %arg19: memref<2064xf32, #tpu.memory_space<vmem>>, %arg20: memref<32xi32, #tpu.memory_space<vmem>>, %arg21: memref<!tpu.dma_semaphore, #tpu.memory_space<semaphore_mem>>, %arg22: memref<!tpu.dma_semaphore, #tpu.memory_space<semaphore_mem>>, %arg23: memref<!tpu.dma_semaphore, #tpu.memory_space<semaphore_mem>>, %arg24: memref<!tpu.dma_semaphore, #tpu.memory_space<semaphore_mem>>, %arg25: memref<!tpu.dma_semaphore, #tpu.memory_space<semaphore_mem>>) attributes {dimension_semantics = [#tpu.dimension_semantics<core_parallel>, #tpu.dimension_semantics<subcore_parallel>], iteration_bounds = array<i64: 1, 16>, scalar_prefetch = 0 : i64, scratch_operands = 13 : i64, tpu.core_type = #tpu.core_type<sc_vector_subcore>, window_params = [{transform_indices = #map}, {transform_indices = #map}, {transform_indices = #map}, {transform_indices = #map}, {transform_indices = #map}, {transform_indices = #map}, {transform_indices = #map}, {transform_indices = #map}, {transform_indices = #map}, {transform_indices = #map}, {transform_indices = #map}]} {
    %mul3A = arith.constant 1 : i32
    %mul3A_0 = arith.muli %arg1, %mul3A : i32
    %add3A = arith.addi %mul3A_0, %arg0 : i32
    %mul3A_1 = arith.constant 2048 : i32
    %mul3A_2 = arith.muli %add3A, %mul3A_1 : i32
    %dma_start3A = tpu.memref_slice %arg2[%mul3A_2] : memref<32768xi32, #tpu.memory_space<hbm>> -> memref<2048xi32, #tpu.memory_space<hbm>>
    %dma_start3A_3 = tpu.memref_slice %arg2[%mul3A_2] : memref<32768xi32, #tpu.memory_space<hbm>> -> memref<2048xi32, #tpu.memory_space<hbm>>
    tpu.enqueue_dma source(%dma_start3A_3 : memref<2048xi32, #tpu.memory_space<hbm>>) target(%arg14 : memref<2048xi32, #tpu.memory_space<vmem>>) target_semaphore(%arg22 : memref<!tpu.dma_semaphore, #tpu.memory_space<semaphore_mem>>)
    %dma_start3A_4 = tpu.memref_slice %arg3[%mul3A_2] : memref<32768xi32, #tpu.memory_space<hbm>> -> memref<2048xi32, #tpu.memory_space<hbm>>
    %dma_start3A_5 = tpu.memref_slice %arg3[%mul3A_2] : memref<32768xi32, #tpu.memory_space<hbm>> -> memref<2048xi32, #tpu.memory_space<hbm>>
    tpu.enqueue_dma source(%dma_start3A_5 : memref<2048xi32, #tpu.memory_space<hbm>>) target(%arg15 : memref<2048xi32, #tpu.memory_space<vmem>>) target_semaphore(%arg22 : memref<!tpu.dma_semaphore, #tpu.memory_space<semaphore_mem>>)
    %dma_start3A_6 = tpu.memref_slice %arg4[%mul3A_2] : memref<32768xf32, #tpu.memory_space<hbm>> -> memref<2048xf32, #tpu.memory_space<hbm>>
    %dma_start3A_7 = tpu.memref_slice %arg4[%mul3A_2] : memref<32768xf32, #tpu.memory_space<hbm>> -> memref<2048xf32, #tpu.memory_space<hbm>>
    tpu.enqueue_dma source(%dma_start3A_7 : memref<2048xf32, #tpu.memory_space<hbm>>) target(%arg16 : memref<2048xf32, #tpu.memory_space<vmem>>) target_semaphore(%arg22 : memref<!tpu.dma_semaphore, #tpu.memory_space<semaphore_mem>>)
    tpu.enqueue_dma source(%arg5 : memref<96xi32, #tpu.memory_space<hbm>>) target(%arg13 : memref<96xi32, #tpu.memory_space<vmem>>) target_semaphore(%arg21 : memref<!tpu.dma_semaphore, #tpu.memory_space<semaphore_mem>>)
    tpu.wait_dma2 semaphore(%arg21 : memref<!tpu.dma_semaphore, #tpu.memory_space<semaphore_mem>>) src(%arg5 : memref<96xi32, #tpu.memory_space<hbm>>) dst(%arg13 : memref<96xi32, #tpu.memory_space<vmem>>)
    %get3A = arith.constant 0 : index
    %get3A_8 = tpu.vector_load %arg13[%get3A] {strides = array<i32>} : memref<96xi32, #tpu.memory_space<vmem>>, vector<16xi32>,
    %get3A_9 = arith.constant 16 : index
    %get3A_10 = tpu.vector_load %arg13[%get3A_9] {strides = array<i32>} : memref<96xi32, #tpu.memory_space<vmem>>, vector<16xi32>,
    %min3A = arith.constant 4096 : i32
    %min3A_11 = vector.broadcast %min3A : i32 to vector<16xi32>
    %min3A_12 = arith.minsi %get3A_10, %min3A_11 : vector<16xi32>
    %add3A_13 = arith.addi %get3A_8, %min3A_12 : vector<16xi32>
    %slice3A = vector.extract_strided_slice %get3A_8 {offsets = [0], sizes = [1], strides = [1]} : vector<16xi32> to vector<1xi32>
    %squeeze3A = vector.extract %slice3A[0] : i32 from vector<1xi32>
    %slice3A_14 = vector.extract_strided_slice %min3A_12 {offsets = [0], sizes = [1], strides = [1]} : vector<16xi32> to vector<1xi32>
    %squeeze3A_15 = vector.extract %slice3A_14[0] : i32 from vector<1xi32>
    %sub3A = arith.subi %squeeze3A, %mul3A_2 : i32
    %shift_right_arithmetic3A = arith.constant 4 : i32
    %shift_right_arithmetic3A_16 = arith.shrsi %sub3A, %shift_right_arithmetic3A : i32
    %jit3A = arith.constant 0 : i32
    %jit3A_17 = arith.constant 128 : i32
    %max3A = arith.maxsi %jit3A, %shift_right_arithmetic3A_16 : i32
    %min3A_18 = arith.minsi %jit3A_17, %max3A : i32
    %add3A_19 = arith.addi %squeeze3A, %squeeze3A_15 : i32
    %sub3A_20 = arith.subi %add3A_19, %mul3A_2 : i32
    %add3A_21 = arith.constant 15 : i32
    %add3A_22 = arith.addi %sub3A_20, %add3A_21 : i32
    %shift_right_arithmetic3A_23 = arith.constant 4 : i32
    %shift_right_arithmetic3A_24 = arith.shrsi %add3A_22, %shift_right_arithmetic3A_23 : i32
    %jit3A_25 = arith.constant 0 : i32
    %jit3A_26 = arith.constant 128 : i32
    %max3A_27 = arith.maxsi %jit3A_25, %shift_right_arithmetic3A_24 : i32
    %min3A_28 = arith.minsi %jit3A_26, %max3A_27 : i32
    %eq3A = arith.constant 15 : i32
    %eq3A_29 = arith.cmpi eq, %add3A, %eq3A : i32
    %convert_element_type3A = arith.extui %eq3A_29 : i1 to i32
    %cond3A = arith.constant 0 : i32
    %cond3A_30 = arith.cmpi ne, %convert_element_type3A, %cond3A : i32
    scf.if %cond3A_30 {
      %get3A_76 = arith.constant 32 : index
      %get3A_77 = tpu.vector_load %arg13[%get3A_76] {strides = array<i32>} : memref<96xi32, #tpu.memory_space<vmem>>, vector<16xi32>,
      %get3A_78 = arith.constant 64 : index
      %get3A_79 = tpu.vector_load %arg13[%get3A_78] {strides = array<i32>} : memref<96xi32, #tpu.memory_space<vmem>>, vector<16xi32>,
      %or3A = arith.ori %get3A_77, %get3A_79 : vector<16xi32>
      %swap3A = arith.constant 0 : index
      %swap3A_80 = tpu.vector_load %arg20[%swap3A] {strides = array<i32>} : memref<32xi32, #tpu.memory_space<vmem>>, vector<16xi32>,
      tpu.vector_store %arg20[%swap3A], %or3A {strides = array<i32>} : memref<32xi32, #tpu.memory_space<vmem>>, vector<16xi32>,
      %get3A_81 = arith.constant 48 : index
      %get3A_82 = tpu.vector_load %arg13[%get3A_81] {strides = array<i32>} : memref<96xi32, #tpu.memory_space<vmem>>, vector<16xi32>,
      %get3A_83 = arith.constant 80 : index
      %get3A_84 = tpu.vector_load %arg13[%get3A_83] {strides = array<i32>} : memref<96xi32, #tpu.memory_space<vmem>>, vector<16xi32>,
      %or3A_85 = arith.ori %get3A_82, %get3A_84 : vector<16xi32>
      %swap3A_86 = arith.constant 16 : index
      %swap3A_87 = tpu.vector_load %arg20[%swap3A_86] {strides = array<i32>} : memref<32xi32, #tpu.memory_space<vmem>>, vector<16xi32>,
      tpu.vector_store %arg20[%swap3A_86], %or3A_85 {strides = array<i32>} : memref<32xi32, #tpu.memory_space<vmem>>, vector<16xi32>,
      tpu.enqueue_dma source(%arg20 : memref<32xi32, #tpu.memory_space<vmem>>) target(%arg12 : memref<32xi32, #tpu.memory_space<hbm>>) target_semaphore(%arg25 : memref<!tpu.dma_semaphore, #tpu.memory_space<semaphore_mem>>)
      tpu.wait_dma2 semaphore(%arg25 : memref<!tpu.dma_semaphore, #tpu.memory_space<semaphore_mem>>) src(%arg20 : memref<32xi32, #tpu.memory_space<vmem>>) dst(%arg12 : memref<32xi32, #tpu.memory_space<hbm>>)
    } else {
    }
    %le3A = arith.cmpi sle, %squeeze3A, %mul3A_2 : i32
    %add3A_31 = arith.addi %squeeze3A, %squeeze3A_15 : i32
    %add3A_32 = arith.constant 2048 : i32
    %add3A_33 = arith.addi %mul3A_2, %add3A_32 : i32
    %ge3A = arith.cmpi sge, %add3A_31, %add3A_33 : i32
    %and3A = arith.andi %le3A, %ge3A : i1
    %and3A_34 = arith.constant 7 : i32
    %and3A_35 = arith.andi %squeeze3A, %and3A_34 : i32
    %eq3A_36 = arith.constant 0 : i32
    %eq3A_37 = arith.cmpi eq, %and3A_35, %eq3A_36 : i32
    %and3A_38 = arith.andi %and3A, %eq3A_37 : i1
    %lt3A = arith.cmpi slt, %min3A_18, %min3A_28 : i32
    %not3A = arith.constant true
    %not3A_39 = arith.xori %and3A_38, %not3A : i1
    %and3A_40 = arith.andi %lt3A, %not3A_39 : i1
    %sub3A_41 = arith.subi %mul3A_2, %squeeze3A : i32
    %and3A_42 = arith.constant -16 : i32
    %and3A_43 = arith.andi %sub3A_41, %and3A_42 : i32
    %jit3A_44 = arith.constant 0 : i32
    %jit3A_45 = arith.constant 2032 : i32
    %max3A_46 = arith.maxsi %jit3A_44, %and3A_43 : i32
    %min3A_47 = arith.minsi %jit3A_45, %max3A_46 : i32
    %multiple_of3A = tpu.assume_multiple %min3A_47, 16 : i32
    %convert_element_type3A_48 = arith.extui %and3A_38 : i1 to i32
    %cond3A_49 = arith.constant 0 : i32
    %cond3A_50 = arith.cmpi ne, %convert_element_type3A_48, %cond3A_49 : i32
    scf.if %cond3A_50 {
      %sub3A_76 = arith.subi %mul3A_2, %squeeze3A : i32
      %multiple_of3A_77 = tpu.assume_multiple %sub3A_76, 8 : i32
      %dma_start3A_78 = arith.constant 0 : i32
      %dma_start3A_79 = tpu.memref_slice %arg17[%dma_start3A_78] : memref<2064xi32, #tpu.memory_space<vmem>> -> memref<2048xi32, #tpu.memory_space<vmem>>
      %dma_start3A_80 = tpu.memref_slice %arg6[%multiple_of3A_77] : memref<4096xi32, #tpu.memory_space<hbm>> -> memref<2048xi32, #tpu.memory_space<hbm>>
      %dma_start3A_81 = arith.constant 0 : i32
      %dma_start3A_82 = tpu.memref_slice %arg17[%dma_start3A_81] : memref<2064xi32, #tpu.memory_space<vmem>> -> memref<2048xi32, #tpu.memory_space<vmem>>
      %dma_start3A_83 = tpu.memref_slice %arg6[%multiple_of3A_77] : memref<4096xi32, #tpu.memory_space<hbm>> -> memref<2048xi32, #tpu.memory_space<hbm>>
      tpu.enqueue_dma source(%dma_start3A_83 : memref<2048xi32, #tpu.memory_space<hbm>>) target(%dma_start3A_82 : memref<2048xi32, #tpu.memory_space<vmem>>) target_semaphore(%arg23 : memref<!tpu.dma_semaphore, #tpu.memory_space<semaphore_mem>>)
      %dma_start3A_84 = arith.constant 0 : i32
      %dma_start3A_85 = tpu.memref_slice %arg18[%dma_start3A_84] : memref<2064xi32, #tpu.memory_space<vmem>> -> memref<2048xi32, #tpu.memory_space<vmem>>
      %dma_start3A_86 = tpu.memref_slice %arg7[%multiple_of3A_77] : memref<4096xi32, #tpu.memory_space<hbm>> -> memref<2048xi32, #tpu.memory_space<hbm>>
      %dma_start3A_87 = arith.constant 0 : i32
      %dma_start3A_88 = tpu.memref_slice %arg18[%dma_start3A_87] : memref<2064xi32, #tpu.memory_space<vmem>> -> memref<2048xi32, #tpu.memory_space<vmem>>
      %dma_start3A_89 = tpu.memref_slice %arg7[%multiple_of3A_77] : memref<4096xi32, #tpu.memory_space<hbm>> -> memref<2048xi32, #tpu.memory_space<hbm>>
      tpu.enqueue_dma source(%dma_start3A_89 : memref<2048xi32, #tpu.memory_space<hbm>>) target(%dma_start3A_88 : memref<2048xi32, #tpu.memory_space<vmem>>) target_semaphore(%arg23 : memref<!tpu.dma_semaphore, #tpu.memory_space<semaphore_mem>>)
      %dma_start3A_90 = arith.constant 0 : i32
      %dma_start3A_91 = tpu.memref_slice %arg19[%dma_start3A_90] : memref<2064xf32, #tpu.memory_space<vmem>> -> memref<2048xf32, #tpu.memory_space<vmem>>
      %dma_start3A_92 = tpu.memref_slice %arg8[%multiple_of3A_77] : memref<4096xf32, #tpu.memory_space<hbm>> -> memref<2048xf32, #tpu.memory_space<hbm>>
      %dma_start3A_93 = arith.constant 0 : i32
      %dma_start3A_94 = tpu.memref_slice %arg19[%dma_start3A_93] : memref<2064xf32, #tpu.memory_space<vmem>> -> memref<2048xf32, #tpu.memory_space<vmem>>
      %dma_start3A_95 = tpu.memref_slice %arg8[%multiple_of3A_77] : memref<4096xf32, #tpu.memory_space<hbm>> -> memref<2048xf32, #tpu.memory_space<hbm>>
      tpu.enqueue_dma source(%dma_start3A_95 : memref<2048xf32, #tpu.memory_space<hbm>>) target(%dma_start3A_94 : memref<2048xf32, #tpu.memory_space<vmem>>) target_semaphore(%arg23 : memref<!tpu.dma_semaphore, #tpu.memory_space<semaphore_mem>>)
    } else {
    }
    %convert_element_type3A_51 = arith.extui %and3A_40 : i1 to i32
    %cond3A_52 = arith.constant 0 : i32
    %cond3A_53 = arith.cmpi ne, %convert_element_type3A_51, %cond3A_52 : i32
    scf.if %cond3A_53 {
      %dma_start3A_76 = tpu.memref_slice %arg6[%multiple_of3A] : memref<4096xi32, #tpu.memory_space<hbm>> -> memref<2064xi32, #tpu.memory_space<hbm>>
      %dma_start3A_77 = tpu.memref_slice %arg6[%multiple_of3A] : memref<4096xi32, #tpu.memory_space<hbm>> -> memref<2064xi32, #tpu.memory_space<hbm>>
      tpu.enqueue_dma source(%dma_start3A_77 : memref<2064xi32, #tpu.memory_space<hbm>>) target(%arg17 : memref<2064xi32, #tpu.memory_space<vmem>>) target_semaphore(%arg23 : memref<!tpu.dma_semaphore, #tpu.memory_space<semaphore_mem>>)
      %dma_start3A_78 = tpu.memref_slice %arg7[%multiple_of3A] : memref<4096xi32, #tpu.memory_space<hbm>> -> memref<2064xi32, #tpu.memory_space<hbm>>
      %dma_start3A_79 = tpu.memref_slice %arg7[%multiple_of3A] : memref<4096xi32, #tpu.memory_space<hbm>> -> memref<2064xi32, #tpu.memory_space<hbm>>
      tpu.enqueue_dma source(%dma_start3A_79 : memref<2064xi32, #tpu.memory_space<hbm>>) target(%arg18 : memref<2064xi32, #tpu.memory_space<vmem>>) target_semaphore(%arg23 : memref<!tpu.dma_semaphore, #tpu.memory_space<semaphore_mem>>)
      %dma_start3A_80 = tpu.memref_slice %arg8[%multiple_of3A] : memref<4096xf32, #tpu.memory_space<hbm>> -> memref<2064xf32, #tpu.memory_space<hbm>>
      %dma_start3A_81 = tpu.memref_slice %arg8[%multiple_of3A] : memref<4096xf32, #tpu.memory_space<hbm>> -> memref<2064xf32, #tpu.memory_space<hbm>>
      tpu.enqueue_dma source(%dma_start3A_81 : memref<2064xf32, #tpu.memory_space<hbm>>) target(%arg19 : memref<2064xf32, #tpu.memory_space<vmem>>) target_semaphore(%arg23 : memref<!tpu.dma_semaphore, #tpu.memory_space<semaphore_mem>>)
    } else {
    }
    %dma_wait3A = tpu.memref_slice %arg2[%mul3A_2] : memref<32768xi32, #tpu.memory_space<hbm>> -> memref<2048xi32, #tpu.memory_space<hbm>>
    %dma_wait3A_54 = tpu.memref_slice %arg2[%mul3A_2] : memref<32768xi32, #tpu.memory_space<hbm>> -> memref<2048xi32, #tpu.memory_space<hbm>>
    tpu.wait_dma2 semaphore(%arg22 : memref<!tpu.dma_semaphore, #tpu.memory_space<semaphore_mem>>) src(%dma_wait3A_54 : memref<2048xi32, #tpu.memory_space<hbm>>) dst(%arg14 : memref<2048xi32, #tpu.memory_space<vmem>>)
    %dma_wait3A_55 = tpu.memref_slice %arg3[%mul3A_2] : memref<32768xi32, #tpu.memory_space<hbm>> -> memref<2048xi32, #tpu.memory_space<hbm>>
    %dma_wait3A_56 = tpu.memref_slice %arg3[%mul3A_2] : memref<32768xi32, #tpu.memory_space<hbm>> -> memref<2048xi32, #tpu.memory_space<hbm>>
    tpu.wait_dma2 semaphore(%arg22 : memref<!tpu.dma_semaphore, #tpu.memory_space<semaphore_mem>>) src(%dma_wait3A_56 : memref<2048xi32, #tpu.memory_space<hbm>>) dst(%arg15 : memref<2048xi32, #tpu.memory_space<vmem>>)
    %dma_wait3A_57 = tpu.memref_slice %arg4[%mul3A_2] : memref<32768xf32, #tpu.memory_space<hbm>> -> memref<2048xf32, #tpu.memory_space<hbm>>
    %dma_wait3A_58 = tpu.memref_slice %arg4[%mul3A_2] : memref<32768xf32, #tpu.memory_space<hbm>> -> memref<2048xf32, #tpu.memory_space<hbm>>
    tpu.wait_dma2 semaphore(%arg22 : memref<!tpu.dma_semaphore, #tpu.memory_space<semaphore_mem>>) src(%dma_wait3A_58 : memref<2048xf32, #tpu.memory_space<hbm>>) dst(%arg16 : memref<2048xf32, #tpu.memory_space<vmem>>)
    %convert_element_type3A_59 = arith.extui %and3A_40 : i1 to i32
    %cond3A_60 = arith.constant 0 : i32
    %cond3A_61 = arith.cmpi ne, %convert_element_type3A_59, %cond3A_60 : i32
    scf.if %cond3A_61 {
      %dma_wait3A_76 = tpu.memref_slice %arg6[%multiple_of3A] : memref<4096xi32, #tpu.memory_space<hbm>> -> memref<2064xi32, #tpu.memory_space<hbm>>
      %dma_wait3A_77 = tpu.memref_slice %arg6[%multiple_of3A] : memref<4096xi32, #tpu.memory_space<hbm>> -> memref<2064xi32, #tpu.memory_space<hbm>>
      tpu.wait_dma2 semaphore(%arg23 : memref<!tpu.dma_semaphore, #tpu.memory_space<semaphore_mem>>) src(%dma_wait3A_77 : memref<2064xi32, #tpu.memory_space<hbm>>) dst(%arg17 : memref<2064xi32, #tpu.memory_space<vmem>>)
      %dma_wait3A_78 = tpu.memref_slice %arg7[%multiple_of3A] : memref<4096xi32, #tpu.memory_space<hbm>> -> memref<2064xi32, #tpu.memory_space<hbm>>
      %dma_wait3A_79 = tpu.memref_slice %arg7[%multiple_of3A] : memref<4096xi32, #tpu.memory_space<hbm>> -> memref<2064xi32, #tpu.memory_space<hbm>>
      tpu.wait_dma2 semaphore(%arg23 : memref<!tpu.dma_semaphore, #tpu.memory_space<semaphore_mem>>) src(%dma_wait3A_79 : memref<2064xi32, #tpu.memory_space<hbm>>) dst(%arg18 : memref<2064xi32, #tpu.memory_space<vmem>>)
      %dma_wait3A_80 = tpu.memref_slice %arg8[%multiple_of3A] : memref<4096xf32, #tpu.memory_space<hbm>> -> memref<2064xf32, #tpu.memory_space<hbm>>
      %dma_wait3A_81 = tpu.memref_slice %arg8[%multiple_of3A] : memref<4096xf32, #tpu.memory_space<hbm>> -> memref<2064xf32, #tpu.memory_space<hbm>>
      tpu.wait_dma2 semaphore(%arg23 : memref<!tpu.dma_semaphore, #tpu.memory_space<semaphore_mem>>) src(%dma_wait3A_81 : memref<2064xf32, #tpu.memory_space<hbm>>) dst(%arg19 : memref<2064xf32, #tpu.memory_space<vmem>>)
      %iota3A = tpu.iota {dimensions = array<i32: 0>} : vector<16xi32>
      %add3A_82 = vector.broadcast %multiple_of3A : i32 to vector<16xi32>
      %add3A_83 = arith.addi %get3A_8, %add3A_82 : vector<16xi32>
      %while3A = arith.constant 0 : i32
      %while3A_84 = arith.subi %min3A_28, %min3A_18 : i32
      %while3A_85 = arith.addi %min3A_18, %while3A_84 : i32
      %while3A_86 = arith.constant 1 : i32
      %while3A_87 = arith.divsi %while3A_84, %while3A_86 : i32
      %while3A_88 = arith.muli %while3A_87, %while3A_86 : i32
      %while3A_89 = arith.addi %min3A_18, %while3A_88 : i32
      %while3A_90 = arith.constant 1 : i32
      scf.for %while3A_92 = %min3A_18 to %while3A_89 step %while3A_90  : i32 {
        %mul3A_93 = arith.constant 16 : i32
        %mul3A_94 = arith.muli %while3A_92, %mul3A_93 : i32
        %add3A_95 = vector.broadcast %mul3A_94 : i32 to vector<16xi32>
        %add3A_96 = arith.addi %add3A_95, %iota3A : vector<16xi32>
        %add3A_97 = vector.broadcast %mul3A_2 : i32 to vector<16xi32>
        %add3A_98 = arith.addi %add3A_97, %add3A_96 : vector<16xi32>
        %ge3A_99 = arith.cmpi sge, %add3A_98, %get3A_8 : vector<16xi32>
        %lt3A_100 = arith.cmpi slt, %add3A_98, %add3A_13 : vector<16xi32>
        %and3A_101 = arith.andi %ge3A_99, %lt3A_100 : vector<16xi1>
        %sub3A_102 = arith.subi %add3A_98, %add3A_83 : vector<16xi32>
        %jit3A_103 = arith.constant 0 : i32
        %jit3A_104 = arith.constant 2063 : i32
        %max3A_105 = vector.broadcast %jit3A_103 : i32 to vector<16xi32>
        %max3A_106 = arith.maxsi %max3A_105, %sub3A_102 : vector<16xi32>
        %min3A_107 = vector.broadcast %jit3A_104 : i32 to vector<16xi32>
        %min3A_108 = arith.minsi %min3A_107, %max3A_106 : vector<16xi32>
        %gather3A = tpu.vector_load_idx %arg17[%min3A_108] : memref<2064xi32, #tpu.memory_space<vmem>>[vector<16xi32>], vector<16xi32>,
        %gather3A_109 = tpu.vector_load_idx %arg18[%min3A_108] : memref<2064xi32, #tpu.memory_space<vmem>>[vector<16xi32>], vector<16xi32>,
        %gather3A_110 = tpu.vector_load_idx %arg19[%min3A_108] : memref<2064xf32, #tpu.memory_space<vmem>>[vector<16xi32>], vector<16xf32>,
        tpu.vector_store_idx %arg14[%add3A_96], %gather3A masked %and3A_101 : memref<2048xi32, #tpu.memory_space<vmem>>[vector<16xi32>], vector<16xi32>, vector<16xi1>
        tpu.vector_store_idx %arg15[%add3A_96], %gather3A_109 masked %and3A_101 : memref<2048xi32, #tpu.memory_space<vmem>>[vector<16xi32>], vector<16xi32>, vector<16xi1>
        tpu.vector_store_idx %arg16[%add3A_96], %gather3A_110 masked %and3A_101 : memref<2048xf32, #tpu.memory_space<vmem>>[vector<16xi32>], vector<16xf32>, vector<16xi1>
      }
      %while3A_91 = arith.constant 1 : i32
      scf.for %while3A_92 = %while3A_89 to %while3A_85 step %while3A_91  : i32 {
        %mul3A_93 = arith.constant 16 : i32
        %mul3A_94 = arith.muli %while3A_92, %mul3A_93 : i32
        %add3A_95 = vector.broadcast %mul3A_94 : i32 to vector<16xi32>
        %add3A_96 = arith.addi %add3A_95, %iota3A : vector<16xi32>
        %add3A_97 = vector.broadcast %mul3A_2 : i32 to vector<16xi32>
        %add3A_98 = arith.addi %add3A_97, %add3A_96 : vector<16xi32>
        %ge3A_99 = arith.cmpi sge, %add3A_98, %get3A_8 : vector<16xi32>
        %lt3A_100 = arith.cmpi slt, %add3A_98, %add3A_13 : vector<16xi32>
        %and3A_101 = arith.andi %ge3A_99, %lt3A_100 : vector<16xi1>
        %sub3A_102 = arith.subi %add3A_98, %add3A_83 : vector<16xi32>
        %jit3A_103 = arith.constant 0 : i32
        %jit3A_104 = arith.constant 2063 : i32
        %max3A_105 = vector.broadcast %jit3A_103 : i32 to vector<16xi32>
        %max3A_106 = arith.maxsi %max3A_105, %sub3A_102 : vector<16xi32>
        %min3A_107 = vector.broadcast %jit3A_104 : i32 to vector<16xi32>
        %min3A_108 = arith.minsi %min3A_107, %max3A_106 : vector<16xi32>
        %gather3A = tpu.vector_load_idx %arg17[%min3A_108] : memref<2064xi32, #tpu.memory_space<vmem>>[vector<16xi32>], vector<16xi32>,
        %gather3A_109 = tpu.vector_load_idx %arg18[%min3A_108] : memref<2064xi32, #tpu.memory_space<vmem>>[vector<16xi32>], vector<16xi32>,
        %gather3A_110 = tpu.vector_load_idx %arg19[%min3A_108] : memref<2064xf32, #tpu.memory_space<vmem>>[vector<16xi32>], vector<16xf32>,
        tpu.vector_store_idx %arg14[%add3A_96], %gather3A masked %and3A_101 : memref<2048xi32, #tpu.memory_space<vmem>>[vector<16xi32>], vector<16xi32>, vector<16xi1>
        tpu.vector_store_idx %arg15[%add3A_96], %gather3A_109 masked %and3A_101 : memref<2048xi32, #tpu.memory_space<vmem>>[vector<16xi32>], vector<16xi32>, vector<16xi1>
        tpu.vector_store_idx %arg16[%add3A_96], %gather3A_110 masked %and3A_101 : memref<2048xf32, #tpu.memory_space<vmem>>[vector<16xi32>], vector<16xf32>, vector<16xi1>
      }
    } else {
    }
    %convert_element_type3A_62 = arith.extui %and3A_38 : i1 to i32
    %cond3A_63 = arith.constant 0 : i32
    %cond3A_64 = arith.cmpi ne, %convert_element_type3A_62, %cond3A_63 : i32
    scf.if %cond3A_64 {
      %dma_wait3A_76 = arith.constant 0 : i32
      %dma_wait3A_77 = tpu.memref_slice %arg17[%dma_wait3A_76] : memref<2064xi32, #tpu.memory_space<vmem>> -> memref<2048xi32, #tpu.memory_space<vmem>>
      %dma_wait3A_78 = tpu.memref_slice %arg6[%multiple_of3A] : memref<4096xi32, #tpu.memory_space<hbm>> -> memref<2048xi32, #tpu.memory_space<hbm>>
      %dma_wait3A_79 = arith.constant 0 : i32
      %dma_wait3A_80 = tpu.memref_slice %arg17[%dma_wait3A_79] : memref<2064xi32, #tpu.memory_space<vmem>> -> memref<2048xi32, #tpu.memory_space<vmem>>
      %dma_wait3A_81 = tpu.memref_slice %arg6[%multiple_of3A] : memref<4096xi32, #tpu.memory_space<hbm>> -> memref<2048xi32, #tpu.memory_space<hbm>>
      tpu.wait_dma2 semaphore(%arg23 : memref<!tpu.dma_semaphore, #tpu.memory_space<semaphore_mem>>) src(%dma_wait3A_81 : memref<2048xi32, #tpu.memory_space<hbm>>) dst(%dma_wait3A_80 : memref<2048xi32, #tpu.memory_space<vmem>>)
      %dma_wait3A_82 = arith.constant 0 : i32
      %dma_wait3A_83 = tpu.memref_slice %arg18[%dma_wait3A_82] : memref<2064xi32, #tpu.memory_space<vmem>> -> memref<2048xi32, #tpu.memory_space<vmem>>
      %dma_wait3A_84 = tpu.memref_slice %arg7[%multiple_of3A] : memref<4096xi32, #tpu.memory_space<hbm>> -> memref<2048xi32, #tpu.memory_space<hbm>>
      %dma_wait3A_85 = arith.constant 0 : i32
      %dma_wait3A_86 = tpu.memref_slice %arg18[%dma_wait3A_85] : memref<2064xi32, #tpu.memory_space<vmem>> -> memref<2048xi32, #tpu.memory_space<vmem>>
      %dma_wait3A_87 = tpu.memref_slice %arg7[%multiple_of3A] : memref<4096xi32, #tpu.memory_space<hbm>> -> memref<2048xi32, #tpu.memory_space<hbm>>
      tpu.wait_dma2 semaphore(%arg23 : memref<!tpu.dma_semaphore, #tpu.memory_space<semaphore_mem>>) src(%dma_wait3A_87 : memref<2048xi32, #tpu.memory_space<hbm>>) dst(%dma_wait3A_86 : memref<2048xi32, #tpu.memory_space<vmem>>)
      %dma_wait3A_88 = arith.constant 0 : i32
      %dma_wait3A_89 = tpu.memref_slice %arg19[%dma_wait3A_88] : memref<2064xf32, #tpu.memory_space<vmem>> -> memref<2048xf32, #tpu.memory_space<vmem>>
      %dma_wait3A_90 = tpu.memref_slice %arg8[%multiple_of3A] : memref<4096xf32, #tpu.memory_space<hbm>> -> memref<2048xf32, #tpu.memory_space<hbm>>
      %dma_wait3A_91 = arith.constant 0 : i32
      %dma_wait3A_92 = tpu.memref_slice %arg19[%dma_wait3A_91] : memref<2064xf32, #tpu.memory_space<vmem>> -> memref<2048xf32, #tpu.memory_space<vmem>>
      %dma_wait3A_93 = tpu.memref_slice %arg8[%multiple_of3A] : memref<4096xf32, #tpu.memory_space<hbm>> -> memref<2048xf32, #tpu.memory_space<hbm>>
      tpu.wait_dma2 semaphore(%arg23 : memref<!tpu.dma_semaphore, #tpu.memory_space<semaphore_mem>>) src(%dma_wait3A_93 : memref<2048xf32, #tpu.memory_space<hbm>>) dst(%dma_wait3A_92 : memref<2048xf32, #tpu.memory_space<vmem>>)
      %dma_start3A_94 = arith.constant 0 : i32
      %dma_start3A_95 = tpu.memref_slice %arg17[%dma_start3A_94] : memref<2064xi32, #tpu.memory_space<vmem>> -> memref<2048xi32, #tpu.memory_space<vmem>>
      %dma_start3A_96 = tpu.memref_slice %arg9[%mul3A_2] : memref<32768xi32, #tpu.memory_space<hbm>> -> memref<2048xi32, #tpu.memory_space<hbm>>
      %dma_start3A_97 = tpu.memref_slice %arg9[%mul3A_2] : memref<32768xi32, #tpu.memory_space<hbm>> -> memref<2048xi32, #tpu.memory_space<hbm>>
      %dma_start3A_98 = arith.constant 0 : i32
      %dma_start3A_99 = tpu.memref_slice %arg17[%dma_start3A_98] : memref<2064xi32, #tpu.memory_space<vmem>> -> memref<2048xi32, #tpu.memory_space<vmem>>
      tpu.enqueue_dma source(%dma_start3A_99 : memref<2048xi32, #tpu.memory_space<vmem>>) target(%dma_start3A_97 : memref<2048xi32, #tpu.memory_space<hbm>>) target_semaphore(%arg24 : memref<!tpu.dma_semaphore, #tpu.memory_space<semaphore_mem>>)
      %dma_start3A_100 = arith.constant 0 : i32
      %dma_start3A_101 = tpu.memref_slice %arg18[%dma_start3A_100] : memref<2064xi32, #tpu.memory_space<vmem>> -> memref<2048xi32, #tpu.memory_space<vmem>>
      %dma_start3A_102 = tpu.memref_slice %arg10[%mul3A_2] : memref<32768xi32, #tpu.memory_space<hbm>> -> memref<2048xi32, #tpu.memory_space<hbm>>
      %dma_start3A_103 = tpu.memref_slice %arg10[%mul3A_2] : memref<32768xi32, #tpu.memory_space<hbm>> -> memref<2048xi32, #tpu.memory_space<hbm>>
      %dma_start3A_104 = arith.constant 0 : i32
      %dma_start3A_105 = tpu.memref_slice %arg18[%dma_start3A_104] : memref<2064xi32, #tpu.memory_space<vmem>> -> memref<2048xi32, #tpu.memory_space<vmem>>
      tpu.enqueue_dma source(%dma_start3A_105 : memref<2048xi32, #tpu.memory_space<vmem>>) target(%dma_start3A_103 : memref<2048xi32, #tpu.memory_space<hbm>>) target_semaphore(%arg24 : memref<!tpu.dma_semaphore, #tpu.memory_space<semaphore_mem>>)
      %dma_start3A_106 = arith.constant 0 : i32
      %dma_start3A_107 = tpu.memref_slice %arg19[%dma_start3A_106] : memref<2064xf32, #tpu.memory_space<vmem>> -> memref<2048xf32, #tpu.memory_space<vmem>>
      %dma_start3A_108 = tpu.memref_slice %arg11[%mul3A_2] : memref<32768xf32, #tpu.memory_space<hbm>> -> memref<2048xf32, #tpu.memory_space<hbm>>
      %dma_start3A_109 = tpu.memref_slice %arg11[%mul3A_2] : memref<32768xf32, #tpu.memory_space<hbm>> -> memref<2048xf32, #tpu.memory_space<hbm>>
      %dma_start3A_110 = arith.constant 0 : i32
      %dma_start3A_111 = tpu.memref_slice %arg19[%dma_start3A_110] : memref<2064xf32, #tpu.memory_space<vmem>> -> memref<2048xf32, #tpu.memory_space<vmem>>
      tpu.enqueue_dma source(%dma_start3A_111 : memref<2048xf32, #tpu.memory_space<vmem>>) target(%dma_start3A_109 : memref<2048xf32, #tpu.memory_space<hbm>>) target_semaphore(%arg24 : memref<!tpu.dma_semaphore, #tpu.memory_space<semaphore_mem>>)
    } else {
    }
    %not3A_65 = arith.constant true
    %not3A_66 = arith.xori %and3A_38, %not3A_65 : i1
    %convert_element_type3A_67 = arith.extui %not3A_66 : i1 to i32
    %cond3A_68 = arith.constant 0 : i32
    %cond3A_69 = arith.cmpi ne, %convert_element_type3A_67, %cond3A_68 : i32
    scf.if %cond3A_69 {
      %dma_start3A_76 = tpu.memref_slice %arg9[%mul3A_2] : memref<32768xi32, #tpu.memory_space<hbm>> -> memref<2048xi32, #tpu.memory_space<hbm>>
      %dma_start3A_77 = tpu.memref_slice %arg9[%mul3A_2] : memref<32768xi32, #tpu.memory_space<hbm>> -> memref<2048xi32, #tpu.memory_space<hbm>>
      tpu.enqueue_dma source(%arg14 : memref<2048xi32, #tpu.memory_space<vmem>>) target(%dma_start3A_77 : memref<2048xi32, #tpu.memory_space<hbm>>) target_semaphore(%arg24 : memref<!tpu.dma_semaphore, #tpu.memory_space<semaphore_mem>>)
      %dma_start3A_78 = tpu.memref_slice %arg10[%mul3A_2] : memref<32768xi32, #tpu.memory_space<hbm>> -> memref<2048xi32, #tpu.memory_space<hbm>>
      %dma_start3A_79 = tpu.memref_slice %arg10[%mul3A_2] : memref<32768xi32, #tpu.memory_space<hbm>> -> memref<2048xi32, #tpu.memory_space<hbm>>
      tpu.enqueue_dma source(%arg15 : memref<2048xi32, #tpu.memory_space<vmem>>) target(%dma_start3A_79 : memref<2048xi32, #tpu.memory_space<hbm>>) target_semaphore(%arg24 : memref<!tpu.dma_semaphore, #tpu.memory_space<semaphore_mem>>)
      %dma_start3A_80 = tpu.memref_slice %arg11[%mul3A_2] : memref<32768xf32, #tpu.memory_space<hbm>> -> memref<2048xf32, #tpu.memory_space<hbm>>
      %dma_start3A_81 = tpu.memref_slice %arg11[%mul3A_2] : memref<32768xf32, #tpu.memory_space<hbm>> -> memref<2048xf32, #tpu.memory_space<hbm>>
      tpu.enqueue_dma source(%arg16 : memref<2048xf32, #tpu.memory_space<vmem>>) target(%dma_start3A_81 : memref<2048xf32, #tpu.memory_space<hbm>>) target_semaphore(%arg24 : memref<!tpu.dma_semaphore, #tpu.memory_space<semaphore_mem>>)
    } else {
    }
    %dma_wait3A_70 = tpu.memref_slice %arg9[%mul3A_2] : memref<32768xi32, #tpu.memory_space<hbm>> -> memref<2048xi32, #tpu.memory_space<hbm>>
    %dma_wait3A_71 = tpu.memref_slice %arg9[%mul3A_2] : memref<32768xi32, #tpu.memory_space<hbm>> -> memref<2048xi32, #tpu.memory_space<hbm>>
    tpu.wait_dma2 semaphore(%arg24 : memref<!tpu.dma_semaphore, #tpu.memory_space<semaphore_mem>>) src(%arg14 : memref<2048xi32, #tpu.memory_space<vmem>>) dst(%dma_wait3A_71 : memref<2048xi32, #tpu.memory_space<hbm>>)
    %dma_wait3A_72 = tpu.memref_slice %arg10[%mul3A_2] : memref<32768xi32, #tpu.memory_space<hbm>> -> memref<2048xi32, #tpu.memory_space<hbm>>
    %dma_wait3A_73 = tpu.memref_slice %arg10[%mul3A_2] : memref<32768xi32, #tpu.memory_space<hbm>> -> memref<2048xi32, #tpu.memory_space<hbm>>
    tpu.wait_dma2 semaphore(%arg24 : memref<!tpu.dma_semaphore, #tpu.memory_space<semaphore_mem>>) src(%arg15 : memref<2048xi32, #tpu.memory_space<vmem>>) dst(%dma_wait3A_73 : memref<2048xi32, #tpu.memory_space<hbm>>)
    %dma_wait3A_74 = tpu.memref_slice %arg11[%mul3A_2] : memref<32768xf32, #tpu.memory_space<hbm>> -> memref<2048xf32, #tpu.memory_space<hbm>>
    %dma_wait3A_75 = tpu.memref_slice %arg11[%mul3A_2] : memref<32768xf32, #tpu.memory_space<hbm>> -> memref<2048xf32, #tpu.memory_space<hbm>>
    tpu.wait_dma2 semaphore(%arg24 : memref<!tpu.dma_semaphore, #tpu.memory_space<semaphore_mem>>) src(%arg16 : memref<2048xf32, #tpu.memory_space<vmem>>) dst(%dma_wait3A_75 : memref<2048xf32, #tpu.memory_space<hbm>>)
    return
  }
}

</mosaic_0001>

<sc_bundles>
// kernel: kernel.3.cloned.1.call-start
scs
__scs_entry_jumppad:
0x0: {  	(pc) =	sbr.rel $0x88, $3  }
0x1: {  	(tag) =	ssettag $0x0;
	lr =	simm.s32 $0x1  }
0x2: {  	[smem:$0x3F97] =	sst lr;
	_ =	strace $0xD0000000  }
0x3: {  	_ = 	snop  }
0x4: {  	_ = 	snop  }
0x5: {  	_ = 	snop  }
0x6: {  	_ = 	snop  }
0x7: {  	_ = 	snop  }
__scs_overlays_trampoline_lowered:
0x8: {  	[smem:$0x3FA6] =	sst s0  }
0x9: {  	[smem:$0x3FA7] =	sst s1  }
0xa: {  	[smem:$0x3FA8] =	sst s2  }
0xb: {  	[smem:$0x3FA9] =	sst s3  }
0xc: {  	[smem:$0x3FAA] =	sst s4  }
0xd: {  	[smem:$0x3FAB] =	sst s5  }
0xe: {  	[smem:$0x3FAC] =	sst s6  }
0xf: {  	[smem:$0x3FAD] =	sst s7  }
0x10: {  	[smem:$0x3FAE] =	sst s8  }
0x11: {  	[smem:$0x3FAF] =	sst s9;
	s0 =	simm.s32 @!p0 $0x0  }
0x12: {  	s1 =	sld [smem:$0x3F95];
	s0 =	simm.s32 @p0 $0x1  }
0x13: {  	[smem:$0x3FB0] =	sst s0;
	s0 =	simm.s32 @!p1 $0x0  }
0x14: {  	s2 =	sld [smem:$0x3F94];
	s0 =	simm.s32 @p1 $0x1  }
0x15: {  	[smem:$0x3FB1] =	sst s0;
	s0 =	simm.s32 @!p2 $0x0  }
0x16: {  	s3 =	sld [smem:$0x3FDB];
	s0 =	simm.s32 @p2 $0x1  }
0x17: {  	s4 =	simm.s32 $0x1BF5;
	[smem:$0x3FB3] =	sst s0  }
0x18: {  	s0 =	sld [smem:$0x3F96];
	_ =	swait.ge [sflag:s4], $0x0  }
0x19: {  	s7 =	sld [smem:$0x3F97]  }
0x1a: {  	s8 =	sadd.s32 $0xFFFFE003, lr  }
0x1b: {  	s9 =	sadd.s32 $0xFFFFFEF7, lr;
	s5 =	simm.s32 $0xFFFFFFFF;
	p2 =	slt.u32 s8, $0xFFFFF086  }
0x1c: {  	p1 =	slt.u32 s9, $0xF7A;
	s5 =	simm.s32 @!p2 $0x0  }
0x1d: {  	s5 =	simm.s32 @p1 $0x1;
	p0 =	seq.s32 s7, s2  }
0x1e: {  	s7 =	smul.u32 @!p0 $0xF7A, s2;
	p2 =	seq.s32 @!p0 s5, $0x0  }
0x1f: {  	s9 =	smul.u32 $0xF7A, s1;
	s8 =	simm.s32 @!p0 $0x1BF5;
	p2 =	por !p2, p0  }
0x20: {  	[sflag:s8] =	ssyncset.s32 @!p0 $0xFFFFF086;
	s6 =	sadd.s32 @!p0 s3, s7;
	s7 =	simm.s32 @!p0 $0x108  }
0x21: {  	s3 =	sadd.s32 s3, s9;
	s6 =	sadd.s32 @!p0 $0x88, s6;
	s7 =	simm.s32 @p2 $0x1082  }
0x22: {  	[simem:s7], [sflag:s8] =	dma.local @!p0 [hbm:s6], $0xF7A  }
0x23: {  	s9 =	sor.u32 $0xD0000000, s2;
	s6 =	simm.s32 $0x108;
	_ =	swait.ge @!p0 [sflag:s8], $0x0  }
0x24: {  	s3 =	sadd.s32 $0x88, s3;
	s6 =	simm.s32 @!p1 $0x1082;
	[sflag:s4] =	ssyncset.s32 $0xFFFFF086  }
0x25: {  	[simem:s6], [sflag:s4] =	dma.local [hbm:s3], $0xF7A  }
0x26: {  	[smem:$0x3F97] =	sst s1;
	(tag) =	ssettag s2;
	_ =	strace s9  }
0x27: {  	s1 =	sld [smem:$0x3FA7]  }
0x28: {  	s2 =	sld [smem:$0x3FA8]  }
0x29: {  	s4 =	sld [smem:$0x3FAA]  }
0x2a: {  	p0 =	seq.s32 s5, $0x0;
	s5 =	sld [smem:$0x3FAB]  }
0x2b: {  	s6 =	sld [smem:$0x3FAC]  }
0x2c: {  	s7 =	sld [smem:$0x3FAD]  }
0x2d: {  	s3 =	simm.s32 $0x108;
	s8 =	sld [smem:$0x3FAE]  }
0x2e: {  	s3 =	simm.s32 @!p0 $0x1082;
	s9 =	sld [smem:$0x3FAF]  }
0x2f: {  	lr =	sadd.s32 s0, s3;
	s0 =	sld [smem:$0x3FA6]  }
0x30: {  	s3 =	sld [smem:$0x3FA9]  }
0x31: {  	[smem:$0x3FB2] =	sst s10  }
0x32: {  	s10 =	sld [smem:$0x3FB0];
	_ =	sdelay $0x3  }
0x33: {  	p0 =	seq.s32 s10, $0x1;
	s10 =	sld [smem:$0x3FB2];
	_ =	sdelay $0x3  }
0x34: {  	[smem:$0x3FB2] =	sst s10  }
0x35: {  	s10 =	sld [smem:$0x3FB1];
	_ =	sdelay $0x3  }
0x36: {  	p1 =	seq.s32 s10, $0x1;
	s10 =	sld [smem:$0x3FB2];
	_ =	sdelay $0x3  }
0x37: {  	[smem:$0x3FB2] =	sst s10  }
0x38: {  	s10 =	sld [smem:$0x3FB3]  }
0x39: {  	_ = 	snop;
	(pc) =	sbr.ind lr, $3  }
0x3a: {  	_ = 	snop  }
0x3b: {  	_ = 	snop  }
0x3c: {  	p2 =	seq.s32 s10, $0x1;
	s10 =	sld [smem:$0x3FB2]  }
0x3d: {  	_ =	shalt  }
0x3e: {  	_ =	shalt  }
0x3f: {  	_ =	shalt  }
0x40: {  	_ =	shalt  }
0x41: {  	_ =	shalt  }
0x42: {  	_ =	shalt  }
0x43: {  	_ =	shalt  }
0x44: {  	_ =	shalt  }
0x45: {  	_ =	shalt  }
0x46: {  	_ =	shalt  }
0x47: {  	_ =	shalt  }
0x48: {  	_ =	shalt  }
0x49: {  	_ =	shalt  }
0x4a: {  	_ =	shalt  }
0x4b: {  	_ =	shalt  }
0x4c: {  	_ =	shalt  }
0x4d: {  	_ =	shalt  }
0x4e: {  	_ =	shalt  }
0x4f: {  	_ =	shalt  }
0x50: {  	_ =	shalt  }
0x51: {  	_ =	shalt  }
0x52: {  	_ =	shalt  }
0x53: {  	_ =	shalt  }
0x54: {  	_ =	shalt  }
0x55: {  	_ =	shalt  }
0x56: {  	_ =	shalt  }
0x57: {  	_ =	shalt  }
0x58: {  	_ =	shalt  }
0x59: {  	_ =	shalt  }
0x5a: {  	_ =	shalt  }
0x5b: {  	_ =	shalt  }
0x5c: {  	_ =	shalt  }
0x5d: {  	_ =	shalt  }
0x5e: {  	_ =	shalt  }
0x5f: {  	_ =	shalt  }
0x60: {  	_ =	shalt  }
0x61: {  	_ =	shalt  }
0x62: {  	_ =	shalt  }
0x63: {  	_ =	shalt  }
0x64: {  	_ =	shalt  }
0x65: {  	_ =	shalt  }
0x66: {  	_ =	shalt  }
0x67: {  	_ =	shalt  }
0x68: {  	_ =	shalt  }
0x69: {  	_ =	shalt  }
0x6a: {  	_ =	shalt  }
0x6b: {  	_ =	shalt  }
0x6c: {  	_ =	shalt  }
0x6d: {  	_ =	shalt  }
0x6e: {  	_ =	shalt  }
0x6f: {  	_ =	shalt  }
0x70: {  	_ =	shalt  }
0x71: {  	_ =	shalt  }
0x72: {  	_ =	shalt  }
0x73: {  	_ =	shalt  }
0x74: {  	_ =	shalt  }
0x75: {  	_ =	shalt  }
0x76: {  	_ =	shalt  }
0x77: {  	_ =	shalt  }
0x78: {  	_ =	shalt  }
0x79: {  	_ =	shalt  }
0x7a: {  	_ =	shalt  }
0x7b: {  	_ =	shalt  }
0x7c: {  	_ =	shalt  }
0x7d: {  	_ =	shalt  }
0x7e: {  	_ =	shalt  }
0x7f: {  	_ =	shalt  }
0x80: {  	_ =	shalt  }
0x81: {  	_ =	shalt  }
0x82: {  	_ =	shalt  }
0x83: {  	_ =	shalt  }
0x84: {  	_ =	shalt  }
0x85: {  	_ =	shalt  }
0x86: {  	_ =	shalt  }
0x87: {  	_ =	shalt  }
.Lfunc_end0:
.L_simem_size_0:
called_computation_lowered:
.L_overlay_start_0:
0x88: {  	s0 =	sld [smem:$0x3FD9]  }
0x89: {  	s1 =	sld [smem:$0x3FFE];
	_ =	sdelay $0x3  }
0x8a: {  	s0 =	sadd.s32 s1, s0  }
0x8b: {  	[smem:$0x3FBE] =	sst s0  }
0x8c: {  	_ = 	snop  }
0x8d: {  	s0 =	sld [smem:$0x3FC9]  }
0x8e: {  	s31 =	sld [smem:$0x3FC8]  }
0x8f: {  	s2 =	sld [smem:$0x3FC7]  }
0x90: {  	s3 =	sld [smem:$0x3FD0]  }
0x91: {  	s4 =	sld [smem:$0x3FC4]  }
0x92: {  	s5 =	sld [smem:$0x3FC3]  }
0x93: {  	s7 =	simm.s32 $0xA;
	s8 =	simm.s32 $0x10;
	s6 =	sld [smem:$0x3FC2]  }
0x94: {  	[smem:s8], [sflag:s7] =	dma.local [hbm:s3], $0x1  }
0x95: {  	_ =	swait.eq [sflag:s7], $0x1  }
0x96: {  	s8 =	sld [smem:$0x10]  }
0x97: {  	s15 =	sld [smem:$0x11];
	[sflag:s7] =	ssyncset.done $0x0  }
0x98: {  	s9 =	sld [smem:$0x12];
	[sflag:s7] =	ssyncadd.s32 $0xFFFFFFFF  }
0x99: {  	s16 =	sld [smem:$0x14];
	(tm) =	ssettm $0x1  }
0x9a: {  	s10 =	sld [smem:$0x3FFB];
	_ =	sdelay $0x3  }
0x9b: {  	_ =	strace s10  }
0x9c: {  	s10 =	sld [smem:$0x3FFC];
	_ =	sdelay $0x3  }
0x9d: {  	_ =	strace s10  }
0x9e: {  	s10 =	sld [smem:$0x3FFD];
	_ =	sdelay $0x3  }
0x9f: {  	_ =	strace s10  }
0xa0: {  	_ =	strace $0x8FFFFFFF  }
0xa1: {  	s17 =	sld [smem:$0x3FDB];
	_ =	sdelay $0x1  }
0xa2: {  	s11 =	simm.s32 $_scs_section_size  }
0xa3: {  	s12 =	simm.s32 $_size__tile_overlayer_lowered;
	s13 =	simm.s32 $_tile_overlayer_lowered  }
0xa4: {  	s20 =	simm.s32 $0x1BFF;
	s19 =	sshll.u32 s13, $0x1;
	s10 =	sadd.s32 s11, s17  }
0xa5: {  	s14 =	simm.s32 $0x0;
	s18 =	sshll.u32 s12, $0x1;
	s12 =	sadd.s32 s19, s10  }
0xa6: {  	[timem:s14], [sflag:s20] =	dma.local [hbm:s12], s18  }
0xa7: {  	_ =	swait.ge [sflag:s20], s18  }
0xa8: {  	s11 =	ssub.s32 $0x0, s18;
	[sflag:s20] =	ssyncset.done $0x0  }
0xa9: {  	[sflag:s20] =	ssyncadd.s32 s11;
	_ =	sdelay $0x1  }
0xaa: {  	s21 =	simm.s32 $0x1B8B  }
0xab: {  	_ =	swait.ge [sflag:s21], $0x1  }
0xac: {  	[sflag:s21] =	ssyncset.done $0x0  }
0xad: {  	s23 =	simm.s32 $0x1B8E;
	s22 =	sld [smem:$0x3FFE];
	[sflag:s21] =	ssyncadd.s32 $0xFFFFFFFF  }
0xae: {  	s24 =	simm.s32 $execute0_lowered;
	[smem:$0x3FD2] =	sst s23  }
0xaf: {  	s12 =	sshll.u32 s24, $0x1;
	_ =	strace $0x80000046;
	[dreg:$0x1] =	wrdreg $0xFFFFFFFF  }
0xb0: {  	s25 =	simm.s32 $_size_execute0_lowered;
	s10 =	sadd.s32 s10, s12;
	[dreg:$0x0] =	wrdreg $0x0  }
0xb1: {  	s12 =	sshll.u32 s25, $0x1;
	[dreg:$0x2] =	wrdreg s10  }
0xb2: {  	[dreg:$0x3] =	wrdreg s12  }
0xb3: {  	[dreg:$0x4] =	wrdreg $0xC0  }
0xb4: {  	_ =	task [dreg:s14], $0x5FFFF  }
0xb5: {  	[dreg:$0x1] =	wrdreg $0xFFFFFFFF  }
0xb6: {  	[dreg:$0x0] =	wrdreg $0x60  }
0xb7: {  	[dreg:$0x2] =	wrdreg s0  }
0xb8: {  	[dreg:$0x3] =	wrdreg s31  }
0xb9: {  	[dreg:$0x4] =	wrdreg s2  }
0xba: {  	[dreg:$0x5] =	wrdreg s16  }
0xbb: {  	[dreg:$0x6] =	wrdreg s4  }
0xbc: {  	[dreg:$0x7] =	wrdreg s5  }
0xbd: {  	[dreg:$0x8] =	wrdreg s6  }
0xbe: {  	[dreg:$0x9] =	wrdreg s8  }
0xbf: {  	[dreg:$0xa] =	wrdreg s15  }
0xc0: {  	[dreg:$0xb] =	wrdreg s9  }
0xc1: {  	[dreg:$0xc] =	wrdreg s22  }
0xc2: {  	[dreg:$0xd] =	wrdreg $0x9  }
0xc3: {  	_ =	task.clear_ibuf [dreg:s14], $0xEFFFF;
	_ =	strace $0x90000046  }
0xc4: {  	s26 =	simm.s32 $0x9;
	_ =	strace $0x80000048  }
0xc5: {  	_ =	swait.ge [sflag:s26], $0x1  }
0xc6: {  	[sflag:s26] =	ssyncadd.s32 $0xFFFFFFFF  }
0xc7: {  	_ =	strace $0x90000048  }
0xc8: {  	_ =	sfence  }
0xc9: {  	s28 =	sld [smem:$0x0];
	_ =	sdelay $0x1  }
0xca: {  	s29 =	srdreg.scid  }
0xcb: {  	s30 =	sshll.u32 s29, $0xD;
	s31 =	sshrl.u32 s29, $0x2  }
0xcc: {  	s1 =	sand.u32 $0x1, s29;
	s2 =	sand.u32 $0x4000, s30;
	s0 =	sadd.s32 s31, s28  }
0xcd: {  	s1 =	sor.u32 s2, s1;
	s0 =	sshll.u32 s0, $0x11  }
0xce: {  	s0 =	sor.u32 s0, s1  }
0xcf: {  	s0 =	sadd.s32 $0x8F2B, s0  }
0xd0: {  	[sflag:s0] =	ssyncadd.remote.s32 $0x1  }
0xd1: {  	_ =	sfence.sel $0xFFFF  }
0xd2: {  	[dreg:$0x0] =	wrdreg $0xFFFFFFFF;
	(pc) =	sbr.abs _section_cstart, $3  }
0xd3: {  	[dreg:$0x1] =	wrdreg $0xFFFFFFFF  }
0xd4: {  	_ =	task.clear_ibuf [dreg:s14], $0x2FFFF;
	_ =	strace $0x9FFFFFFF  }
0xd5: {  	(tm) =	ssettm $0x7FFFFFFF  }
tec
execute0_lowered:
.L_overlay_start_1:
0x0: {  	(tag) =	ssettag $0x1  }
0x1: {  	s2 =	rddreg [dreg:$0x0]  }
0x2: {  	s3 =	rddreg [dreg:$0x1]  }
0x3: {  	s4 =	rddreg [dreg:$0x2]  }
0x4: {  	s8 =	rddreg [dreg:$0x3]  }
0x5: {  	s5 =	rddreg [dreg:$0x4]  }
0x6: {  	s6 =	rddreg [dreg:$0x5]  }
0x7: {  	s7 =	rddreg [dreg:$0x6]  }
0x8: {  	s12 =	rddreg [dreg:$0x7]  }
0x9: {  	s13 =	rddreg [dreg:$0x8]  }
0xa: {  	s14 =	rddreg [dreg:$0x9]  }
0xb: {  	s11 =	rddreg [dreg:$0xa]  }
0xc: {  	s0 =	rddreg [dreg:$0xb];
	s9 =	simm.s32 $0x0;
	s1 =	stileid.u32  }
0xd: {  	[smem:$0x7FF] =	sst s9;
	s15 =	sshll.u32 s1, $0x8  }
0xe: {  	s10 =	simm.s32 $0x80;
	_ =	strace $0x80000047;
	s2 =	sadd.s32 s2, s15  }
0xf: {  	[tilespmem:s10], [sflag:$0x2] =	stream.linear.gather [hbm4b:s2+s9], $0x800, $0x38;
	[tilespmem:$0x3280] =	vst v63  }
0x10: {  	s24 =	simm.s32 $0x880;
	s23 =	sadd.s32 s3, s15  }
0x11: {  	[tilespmem:s24], [sflag:$0x2] =	stream.linear.gather [hbm4b:s23+s9], $0x800, $0x38;
	[tilespmem:$0x3280] =	vst v63  }
0x12: {  	s26 =	simm.s32 $0x1080;
	s25 =	sadd.s32 s4, s15  }
0x13: {  	[tilespmem:s26], [sflag:$0x2] =	stream.linear.gather [hbm4b:s25+s9], $0x800, $0x38;
	[tilespmem:$0x3280] =	vst v63  }
0x14: {  	s28 =	simm.s32 $0x1  }
0x15: {  	[tilespmem:s9], [sflag:$0x1] =	stream.linear.gather [hbm4b:s8+s9], $0x80, $0x38;
	[tilespmem:$0x3280] =	vst v63  }
0x16: {  	_ =	swait.ge [sflag:s28], $0x80  }
0x17: {  	[sflag:s28] =	ssyncset.done $0x0  }
0x18: {  	[sflag:s28] =	ssyncadd.s32 $0xFFFFFF80  }
0x19: {  	v1 =	vld [tilespmem:$0x10]  }
0x1a: {  	v0 =	vld [tilespmem:$0x0];
	_ =	sdelay $0x3  }
0x1b: {  	vm0 =	vlt.s32 v1, $0x1000  }
0x1c: {  	(v2sf) =	vpush v0, $0x0;
	v1 =	vnsel vm0, $0x1000, v1  }
0x1d: {  	(v2sf) =	vpush v1, $0x0;
	_ =	sdelay $0x1  }
0x1e: {  	p1 =	sne.s32 s1, $0xF  }
0x1f: {  	v2 =	vld @!p1 [tilespmem:$0x20]  }
0x20: {  	v3 =	vld @!p1 [tilespmem:$0x40]  }
0x21: {  	v4 =	vld @!p1 [tilespmem:$0x30]  }
0x22: {  	v5 =	vld @!p1 [tilespmem:$0x50];
	_ =	sdelay $0x3  }
0x23: {  	v2 =	vor.u32 @!p1 v2, v3  }
0x24: {  	[tilespmem:$0x3200] =	vst @!p1 v2;
	v2 =	vor.u32 @!p1 v4, v5  }
0x25: {  	s4 =	simm.s32 @!p1 $0x0;
	s16 =	simm.s32 @!p1 $0x3200;
	s2 =	sadd.s32 $0x400, s11;
	[tilespmem:$0x3210] =	vst @!p1 v2  }
0x26: {  	[hbm4b:s2+s4] =	stream.linear.scatter @!p1 [tilespmem:s16], [sflag:$0x5], $0x80, $0x38;
	[tilespmem:$0x3280] =	vst v63  }
0x27: {  	s10 =	spop (v2sf)  }
0x28: {  	s8 =	sshll.u32 s1, $0xB;
	s30 =	spop (v2sf)  }
0x29: {  	s29 =	sadd.s32 $0x800, s8;
	s11 =	sadd.s32 s10, s30  }
0x2a: {  	p0 =	slt.s32 s8, s10;
	s31 =	sand.u32 $0x7, s10;
	p2 =	slt.s32 s11, s29  }
0x2b: {  	p6 =	sne.s32 s31, $0x0;
	p0 =	por p0, p2  }
0x2c: {  	p0 =	por p6, p0  }
.Ltmp0:
0x2d: {  	_ = 	snop;
	(pc) =	sbr.rel @!p0 .LBB2_1-.Ltmp0, $4  }
0x2e: {  	s16 =	simm.s32 @!p1 $0x5  }
0x2f: {  	_ =	swait.ge @!p1 [sflag:s16], $0x80  }
0x30: {  	s3 =	sadd.s32 s13, s15;
	s2 =	sadd.s32 s12, s15;
	[sflag:s16] =	ssyncset.done @!p1 $0x0  }
0x31: {  	s4 =	sadd.s32 s14, s15;
	s12 =	ssub.s32 s8, s10;
	[sflag:s16] =	ssyncadd.s32 @!p1 $0xFFFFFF80  }
0x32: {  	s9 =	ssub.s32 s11, s8  }
0x33: {  	s9 =	sadd.s32 $0xF, s9  }
0x34: {  	s10 =	ssub.s32 s10, s8;
	s11 =	sshra.s32 s9, $0x4  }
0x35: {  	s9 =	sshra.s32 s10, $0x4;
	p1 =	sgt.s32 s11, $0x0  }
0x36: {  	p2 =	sgt.s32 s9, $0x0;
	s11 =	simm.s32 @!p1 $0x0  }
0x37: {  	s9 =	simm.s32 @!p2 $0x0;
	s10 =	smin.u32 s11, $0x80  }
0x38: {  	p1 =	sge.u32 s9, s10  }
.Ltmp1:
0x39: {  	_ = 	snop;
	(pc) =	sbr.rel @p1 .LBB2_2-.Ltmp1, $1  }
0x3a: {  	_ =	sdelay $0x3  }
0x3b: {  	s11 =	sand.u32 $0xFFFFFFF0, s12  }
0x3c: {  	p0 =	sgt.s32 s11, $0x0  }
0x3d: {  	s11 =	simm.s32 @!p0 $0x0  }
0x3e: {  	s11 =	smin.u32 s11, $0x7F0  }
0x3f: {  	s28 =	sshrl.u32 s11, $0x3  }
0x40: {  	s14 =	simm.s32 $0x0;
	s13 =	sadd.s32 s5, s28;
	s5 =	simm.s32 $0x1880  }
0x41: {  	[tilespmem:s5], [sflag:$0x3] =	stream.linear.gather [hbm4b:s13+s14], $0x810, $0x38;
	[tilespmem:$0x3280] =	vst v63  }
0x42: {  	s29 =	sadd.s32 s6, s28;
	s6 =	simm.s32 $0x2100  }
0x43: {  	[tilespmem:s6], [sflag:$0x3] =	stream.linear.gather [hbm4b:s29+s14], $0x810, $0x38;
	[tilespmem:$0x3280] =	vst v63  }
0x44: {  	s30 =	simm.s32 $0x2;
	s12 =	sadd.s32 s7, s28;
	s7 =	simm.s32 $0x2980  }
0x45: {  	[tilespmem:s7], [sflag:$0x3] =	stream.linear.gather [hbm4b:s12+s14], $0x810, $0x38;
	[tilespmem:$0x3280] =	vst v63  }
0x46: {  	_ =	swait.ge [sflag:s30], $0x800  }
0x47: {  	[sflag:s30] =	ssyncset.done $0x0  }
0x48: {  	[sflag:s30] =	ssyncadd.s32 $0xFFFFF800  }
0x49: {  	_ =	swait.ge [sflag:s30], $0x800  }
0x4a: {  	[sflag:s30] =	ssyncset.done $0x0  }
0x4b: {  	[sflag:s30] =	ssyncadd.s32 $0xFFFFF800  }
0x4c: {  	_ =	swait.ge [sflag:s30], $0x800  }
0x4d: {  	[sflag:s30] =	ssyncset.done $0x0  }
0x4e: {  	s31 =	simm.s32 $0x3;
	[sflag:s30] =	ssyncadd.s32 $0xFFFFF800  }
0x4f: {  	_ =	swait.ge [sflag:s31], $0x810  }
0x50: {  	s9 =	smin.u32 s9, $0x80;
	[sflag:s31] =	ssyncset.done $0x0  }
0x51: {  	s10 =	ssub.s32 s10, s9;
	[sflag:s31] =	ssyncadd.s32 $0xFFFFF7F0  }
0x52: {  	p2 =	seq.s32 s10, $0x1;
	_ =	swait.ge [sflag:s31], $0x810  }
.Ltmp2:
0x53: {  	v2 =	vmov s11;
	[sflag:s31] =	ssyncset.done $0x0;
	(pc) =	sbr.rel @p2 .LBB2_5-.Ltmp2, $4  }
0x54: {  	v2 =	vsub.s32 $0x0, v2;
	[sflag:s31] =	ssyncadd.s32 $0xFFFFF7F0  }
0x55: {  	v3 =	vbroadcast v2, $0x0;
	_ =	swait.ge [sflag:s31], $0x810  }
0x56: {  	v1 =	vadd.s32 v0, v1;
	p1 =	por $0x0, $0x0;
	p0 =	por $0x0, $0x0;
	[sflag:s31] =	ssyncset.done $0x0  }
0x57: {  	v4 =	vlaneseq.u32;
	v2 =	vmov s8;
	s8 =	sshll.u32 s9, $0x4;
	s9 =	sadd.s32 $0xFFFFFFFF, s10;
	v3 =	vsub.s32 v3, v0;
	[sflag:s31] =	ssyncadd.s32 $0xFFFFF7F0  }
0x58: {  	v5 =	vor.u32 s8, v4;
	p2 =	seq.s32 s9, $0x1  }
.Ltmp3:
0x59: {  	v6 =	vadd.s32 v2, v5;
	(pc) =	sbr.rel @p2 .LBB2_7-.Ltmp3, $4  }
0x5a: {  	v7 =	vadd.s32 v6, v3  }
0x5b: {  	vm0 =	vgt.s32 v7, $0x0  }
0x5c: {  	v7 =	vnsel vm0, $0x0, v7  }
0x5d: {  	s9 =	sadd.s32 $0xFFFFFFFF, s9;
	s8 =	sadd.s32 $0x10, s8;
	p0 =	por $0x1, $0x1;
	vm1 =	vge.s32 v6, v0;
	vm2 =	vlt.s32 v6, v1;
	v6 =	vmin.u32 v7, $0x80F  }
0x5e: {  	_ =	sdelay $0x1  }
0x5f: {  	v8 =	vor.u32 s8, v4  }
0x60: {  	vm0 =	vmand vm1, vm2;
	v11 =	vadd.s32 v2, v8  }
0x61: {  	v9 =	vld.idx.msk [tilespmem:v6+s5+$0x0], $0xffff;
	v12 =	vadd.s32 v11, v3  }
0x62: {  	v10 =	vld.idx.msk [tilespmem:v6+s6+$0x0], $0xffff;
	p2 =	seq.s32 s9, $0x1;
	vm1 =	vgt.s32 v12, $0x0  }
.Ltmp4:
0x63: {  	v7 =	vld.idx.msk [tilespmem:v6+s7+$0x0], $0xffff;
	v6 =	vnsel vm1, $0x0, v12;
	(pc) =	sbr.rel @p2 .LBB2_9-.Ltmp4, $4  }
0x64: {  	v6 =	vmin.u32 v6, $0x80F  }
0x65: {  	s10 =	simm.s32 $0x80  }
0x66: {  	s11 =	sadd.s32 $0xFFFFFFFF, s9;
	s12 =	simm.s32 $0x880;
	[tilespmem:v5+s10+$0x0] =	vst.idx.msk vm0, v9  }
0x67: {  	s8 =	sadd.s32 $0x10, s8;
	s9 =	simm.s32 $0x1080;
	p1 =	por $0x1, $0x1;
	vm2 =	vlt.s32 v11, v1;
	vm1 =	vge.s32 v11, v0;
	[tilespmem:v5+s12+$0x0] =	vst.idx.msk vm0, v10  }
.LBB2_10:
0x68: {  	p2 =	seq.s32 s11, $0x1;
	s11 =	sadd.s32 $0xFFFFFFFF, s11;
	[tilespmem:v5+s9+$0x0] =	vst.idx.msk vm0, v7;
	v5 =	vmov v8;
	v8 =	vor.u32 s8, v4  }
0x69: {  	vm0 =	vmand vm1, vm2;
	v7 =	vadd.s32 v2, v8;
	v9 =	vld.idx.msk [tilespmem:v6+s5+$0x0], $0xffff  }
0x6a: {  	vm1 =	vge.s32 v7, v0;
	vm2 =	vlt.s32 v7, v1;
	v10 =	vadd.s32 v7, v3;
	v11 =	vld.idx.msk [tilespmem:v6+s6+$0x0], $0xffff  }
0x6b: {  	vm3 =	vgt.s32 v10, $0x0;
	v7 =	vld.idx.msk [tilespmem:v6+s7+$0x0], $0xffff  }
.Ltmp5:
0x6c: {  	v6 =	vnsel vm3, $0x0, v10;
	(pc) =	sbr.rel @!p2 .LBB2_10-.Ltmp5, $3  }
0x6d: {  	v6 =	vmin.u32 v6, $0x80F;
	_ =	sdelay $0x1  }
0x6e: {  	[tilespmem:v5+s10+$0x0] =	vst.idx.msk vm0, v9  }
0x6f: {  	s8 =	sadd.s32 $0x10, s8;
	[tilespmem:v5+s12+$0x0] =	vst.idx.msk vm0, v11  }
0x70: {  	v9 =	vmov v5;
	v5 =	vmov v8  }
.LBB2_12:
0x71: {  	_ =	sdelay $0x4  }
0x72: {  	v4 =	vor.u32 s8, v4;
	[tilespmem:v9+s9+$0x0] =	vst.idx.msk @p1 vm0, v7  }
0x73: {  	vm0 =	vmand @p0 vm1, vm2;
	v2 =	vadd.s32 v2, v4;
	v7 =	vld.idx.msk @p0 [tilespmem:v6+s5+$0x0], $0xffff  }
0x74: {  	v8 =	vld.idx.msk @p0 [tilespmem:v6+s6+$0x0], $0xffff;
	v3 =	vadd.s32 v2, v3  }
0x75: {  	v6 =	vld.idx.msk @p0 [tilespmem:v6+s7+$0x0], $0xffff;
	vm2 =	vmmov @p0 vm0;
	vm13 =	vgt.s32 v3, $0x0  }
0x76: {  	v9 =	vpsel p0, v5, v0;
	v3 =	vnsel vm13, $0x0, v3  }
0x77: {  	v3 =	vmin.u32 v3, $0x80F  }
0x78: {  	s8 =	simm.s32 @p0 $0x80  }
0x79: {  	s9 =	simm.s32 @p0 $0x1080;
	vm14 =	vge.s32 v2, v0;
	[tilespmem:v5+s8+$0x0] =	vst.idx.msk @p0 vm0, v7;
	s8 =	simm.s32 @p0 $0x880  }
0x7a: {  	vm3 =	vlt.s32 v2, v1;
	v0 =	vpsel p0, v6, v0;
	[tilespmem:v5+s8+$0x0] =	vst.idx.msk @p0 vm0, v8;
	s8 =	smov.u32 @p0 s9  }
0x7b: {  	vm15 =	vmand vm14, vm3;
	[tilespmem:v9+s8+$0x0] =	vst.idx.msk @p0 vm2, v0  }
0x7c: {  	v0 =	vld.idx.msk [tilespmem:v3+s5+$0x0], $0xffff  }
0x7d: {  	v62 =	vld.idx.msk [tilespmem:v3+s6+$0x0], $0xffff  }
0x7e: {  	v63 =	vld.idx.msk [tilespmem:v3+s7+$0x0], $0xffff  }
.Ltmp6:
0x7f: {  	_ = 	snop;
	(pc) =	sbr.rel .LBB2_13-.Ltmp6, $4  }
0x80: {  	s5 =	simm.s32 $0x80  }
0x81: {  	s6 =	simm.s32 $0x880;
	[tilespmem:v4+s5+$0x0] =	vst.idx.msk vm15, v0  }
0x82: {  	s7 =	simm.s32 $0x1080;
	[tilespmem:v4+s6+$0x0] =	vst.idx.msk vm15, v62  }
0x83: {  	[tilespmem:v4+s7+$0x0] =	vst.idx.msk vm15, v63  }
.LBB2_1:
0x84: {  	s8 =	sshrl.u32 s12, $0x3  }
0x85: {  	s10 =	simm.s32 $0x1880;
	s5 =	sadd.s32 s5, s8  }
0x86: {  	[tilespmem:s10], [sflag:$0x3] =	stream.linear.gather [hbm4b:s5+s9], $0x800, $0x38;
	[tilespmem:$0x3280] =	vst v63  }
0x87: {  	s29 =	simm.s32 $0x2100;
	s28 =	sadd.s32 s6, s8  }
0x88: {  	[tilespmem:s29], [sflag:$0x3] =	stream.linear.gather [hbm4b:s28+s9], $0x800, $0x38;
	[tilespmem:$0x3280] =	vst v63  }
0x89: {  	s31 =	simm.s32 $0x2980;
	s30 =	sadd.s32 s7, s8  }
0x8a: {  	[tilespmem:s31], [sflag:$0x3] =	stream.linear.gather [hbm4b:s30+s9], $0x800, $0x38;
	[tilespmem:$0x3280] =	vst v63  }
.LBB2_2:
0x8b: {  	s5 =	simm.s32 $0x2  }
0x8c: {  	_ =	swait.ge [sflag:s5], $0x800  }
0x8d: {  	[sflag:s5] =	ssyncset.done $0x0  }
0x8e: {  	[sflag:s5] =	ssyncadd.s32 $0xFFFFF800  }
0x8f: {  	_ =	swait.ge [sflag:s5], $0x800  }
0x90: {  	[sflag:s5] =	ssyncset.done $0x0  }
0x91: {  	[sflag:s5] =	ssyncadd.s32 $0xFFFFF800  }
0x92: {  	_ =	swait.ge [sflag:s5], $0x800  }
0x93: {  	[sflag:s5] =	ssyncset.done $0x0  }
0x94: {  	s8 =	simm.s32 @!p0 $0x3;
	[sflag:s5] =	ssyncadd.s32 $0xFFFFF800  }
0x95: {  	_ =	swait.ge @!p0 [sflag:s8], $0x800  }
0x96: {  	[sflag:s8] =	ssyncset.done @!p0 $0x0  }
0x97: {  	[sflag:s8] =	ssyncadd.s32 @!p0 $0xFFFFF800  }
0x98: {  	_ =	swait.ge @!p0 [sflag:s8], $0x800  }
0x99: {  	[sflag:s8] =	ssyncset.done @!p0 $0x0  }
0x9a: {  	[sflag:s8] =	ssyncadd.s32 @!p0 $0xFFFFF800  }
0x9b: {  	s7 =	simm.s32 @!p0 $0x2980;
	s6 =	simm.s32 @!p0 $0x2100;
	_ =	swait.ge @!p0 [sflag:s8], $0x800  }
0x9c: {  	s6 =	simm.s32 @p0 $0x880;
	s5 =	simm.s32 @!p0 $0x1880;
	[sflag:s8] =	ssyncset.done @!p0 $0x0  }
0x9d: {  	s7 =	simm.s32 @p0 $0x1080;
	s5 =	simm.s32 @p0 $0x80;
	[sflag:s8] =	ssyncadd.s32 @!p0 $0xFFFFF800  }
.LBB2_13:
0x9e: {  	s8 =	simm.s32 $0x0  }
0x9f: {  	[hbm4b:s2+s8] =	stream.linear.scatter [tilespmem:s5], [sflag:$0x4], $0x800, $0x38;
	[tilespmem:$0x3280] =	vst v63  }
0xa0: {  	_ = 	snop  }
0xa1: {  	[hbm4b:s3+s8] =	stream.linear.scatter [tilespmem:s6], [sflag:$0x4], $0x800, $0x38;
	[tilespmem:$0x3280] =	vst v63  }
0xa2: {  	s31 =	simm.s32 $0x4  }
0xa3: {  	[hbm4b:s4+s8] =	stream.linear.scatter [tilespmem:s7], [sflag:$0x4], $0x800, $0x38;
	[tilespmem:$0x3280] =	vst v63  }
0xa4: {  	_ =	swait.ge [sflag:s31], $0x800  }
0xa5: {  	[sflag:s31] =	ssyncset.done $0x0  }
0xa6: {  	[sflag:s31] =	ssyncadd.s32 $0xFFFFF800  }
0xa7: {  	_ =	swait.ge [sflag:s31], $0x800  }
0xa8: {  	[sflag:s31] =	ssyncset.done $0x0  }
0xa9: {  	[sflag:s31] =	ssyncadd.s32 $0xFFFFF800  }
0xaa: {  	_ =	swait.ge [sflag:s31], $0x800  }
0xab: {  	[sflag:s31] =	ssyncset.done $0x0  }
0xac: {  	[sflag:s31] =	ssyncadd.s32 $0xFFFFF800  }
0xad: {  	_ =	sfence.sel $0x180000  }
0xae: {  	[bflag:$0x0] =	sbarrier.arrive $0xFFFF  }
0xaf: {  	p0 =	sne.s32 s1, $0x0;
	_ =	strace $0x90000047  }
0xb0: {  	s0 =	sadd.s32 @!p0 $0x100000, s0;
	[bflag:$0x2] =	sbarrier.arrive $0xFFFF  }
0xb1: {  	[sflag:s0] =	ssyncadd.tile.s32 @!p0 $0x1;
	_ =	shalt  }
.LBB2_5:
.Ltmp7:
0xb2: {  	(pc) =	sbr.rel .LBB2_12-.Ltmp7, $2  }
0xb3: {  	_ =	sdelay $0x2  }
0xb4: {  	_ = 	snop  }
.LBB2_7:
.Ltmp8:
0xb5: {  	(pc) =	sbr.rel .LBB2_12-.Ltmp8, $2  }
0xb6: {  	_ =	sdelay $0x2  }
0xb7: {  	_ = 	snop  }
.LBB2_9:
.Ltmp9:
0xb8: {  	(pc) =	sbr.rel .LBB2_12-.Ltmp9, $2  }
0xb9: {  	_ =	sdelay $0x2  }
0xba: {  	v9 =	vmov v5;
	v5 =	vmov v8  }
.Lfunc_end2:
_tile_overlayer_lowered:
.L_overlay_start_2:
0xbb: {  	(tag) =	ssettag $0x2  }
0xbc: {  	s0 =	rddreg [dreg:$0x0];
	s2 =	stileid.u32  }
0xbd: {  	s1 =	rddreg [dreg:$0x1];
	p0 =	sne.s32 s2, $0x0  }
0xbe: {  	s3 =	rddreg [dreg:$0x2];
	[bflag:$0x3] =	sbarrier.arrive $0xFFFF;
	s2 =	simm.s32 @!p0 $0x1C06  }
0xbf: {  	[timem:s3], [sflag:s2] =	dma.local @!p0 [hbm:s0], s1  }
0xc0: {  	s0 =	simm.s32 @!p0 $0x6  }
0xc1: {  	_ =	swait.ge @!p0 [sflag:s0], s1  }
0xc2: {  	s1 =	ssub.s32 @!p0 $0x0, s1;
	[sflag:s0] =	ssyncset.done @!p0 $0x0  }
0xc3: {  	[sflag:s0] =	ssyncadd.s32 @!p0 s1  }
0xc4: {  	[bflag:$0x3] =	sbarrier.arrive $0xFFFF  }
0xc5: {  	_ =	shalt  }

</sc_bundles>
